<compile_context>
chip_gen: v7x
topology: tpu7x:2x2x1
jax: 0.10.2.dev20260603
libtpu: 0.0.44.dev20260713+nightly
codegen_flags: <defaults>
</compile_context>

<pallas_src>
import jax
import jax.numpy as jnp
from jax import lax
from jax.experimental import pallas as pl
from jax.experimental.pallas import tpu as pltpu
from jax.experimental.pallas import tpu_sc as plsc

B, S = 4, 4096
WS, WH = 64, 128
V, TH = 1000000, 128

NC, NS = 2, 16
NW = NC * NS
WPB = NW // B
BPW = S // WPB
CH = 128
NCH = BPW // CH
WROWS = WS // WPB


def _body(ids_hbm, ws_hbm, table_hbm, ws_out, emb_out, idx_v, rows_v, ws_v,
          *sems):
    gsems, osem = sems[:NCH], sems[NCH]
    wid = lax.axis_index("c") * NS + lax.axis_index("s")
    batch = lax.div(wid, WPB)
    stripe = lax.rem(wid, WPB)

    pltpu.sync_copy(ids_hbm.at[batch, stripe], idx_v)

    gathers = []
    for j in range(NCH):
        gathers.append(
            pltpu.async_copy(
                table_hbm.at[idx_v.at[j]],
                rows_v.at[pl.ds(j * CH, CH)],
                gsems[j],
            )
        )

    tok0 = stripe * BPW
    out_copies = []
    for j in range(NCH):
        gathers[j].wait()
        out_copies.append(
            pltpu.async_copy(
                rows_v.at[pl.ds(j * CH, CH)],
                emb_out.at[batch, pl.ds(tok0 + j * CH, CH)],
                osem,
            )
        )

    row0 = stripe * WROWS
    pltpu.sync_copy(ws_hbm.at[pl.ds(row0, WROWS)], ws_v)
    pltpu.sync_copy(ws_v, ws_out.at[batch, pl.ds(row0, WROWS)])

    for c in out_copies:
        c.wait()


@jax.jit
def _run(ids, ws, table):
    kern = pl.kernel(
        _body,
        out_type=(
            jax.ShapeDtypeStruct((B, WS, WH), jnp.float32),
            jax.ShapeDtypeStruct((B, S, TH), jnp.float32),
        ),
        mesh=plsc.VectorSubcoreMesh(core_axis_name="c", subcore_axis_name="s"),
        scratch_types=[
            pltpu.VMEM((NCH, CH), jnp.int32),
            pltpu.VMEM((BPW, TH), jnp.float32),
            pltpu.VMEM((WROWS, WH), jnp.float32),
        ] + [pltpu.SemaphoreType.DMA] * (NCH + 1),
    )
    return kern(ids, ws, table)


def kernel(input_ids, attention_mask, init_workspace, word_table):
    ids = input_ids.reshape(B, WPB, NCH, CH)
    ws = init_workspace.reshape(WS, WH)
    workspace, embeddings = _run(ids, ws, word_table)
    return (workspace, embeddings)

# --- scband reference (transcript-rebuilt; emitter-appended) ---
"""Pipeline reference for scband-embeddings-19576460935281 (READ-ONLY COPY).

The authoritative reference and input builder live on the scoring server;
editing this copy changes nothing except your own understanding.
"""

import jax, jax.numpy as jnp
import numpy as np

B, S = 4, 4096
WS, WH = 64, 128
V, TH = 1000000, 128


def setup_inputs(seed: int = 0) -> dict:
    key = jax.random.key(seed)
    k1, k2, k3 = jax.random.split(key, 3)
    input_ids = jax.random.randint(k1, (B, S), 0, V, dtype=jnp.int32)
    attention_mask = jnp.ones((B, S), dtype=jnp.float32)
    # init_workspace: normal init then normalized by per-row std (reset_parameters)
    init_workspace = jax.random.normal(k2, (1, WS, WH), dtype=jnp.float32)
    init_workspace = init_workspace / jnp.std(init_workspace, axis=-1, keepdims=True)
    # word embedding table: N(0,1) init (nn.Embedding default) then normalized by per-row std
    word_table = jax.random.normal(k3, (V, TH), dtype=jnp.float32)
    word_table = word_table / jnp.std(word_table, axis=-1, keepdims=True)
    return {
        "input_ids": input_ids,
        "attention_mask": attention_mask,
        "init_workspace": init_workspace,
        "word_table": word_table,
    }


def reference(input_ids, attention_mask, init_workspace, word_table):
    bs = input_ids.shape[0]
    # workspace = self.init_workspace.repeat([bs, 1, 1])
    workspace = jnp.tile(init_workspace, (bs, 1, 1))
    # embeddings = self.word_embeddings(input_ids)
    embeddings = jnp.take(word_table, input_ids, axis=0)
    # avg_token_mix is None -> skip mixing matmul
    # VariationalNormalEpanechnikovDropout acts as identity at inference/eval time
    # (variational dropout layers pass input through unchanged when not sampling noise).
    # attention_mask only gates the stochastic noise, so it is a no-op here.
    return (workspace, embeddings)

if __name__ == "__main__":
    import jax
    _d = setup_inputs()
    print(jax.jit(kernel)(*tuple(_d.values())))

</pallas_src>

<mosaic_0001>
#map = affine_map<(d0, d1) -> (0, 0, 0, 0)>
#map1 = affine_map<(d0, d1) -> (0, 0)>
#map2 = affine_map<(d0, d1) -> (0, 0, 0)>
module attributes {stable_mosaic.version = 14 : i64} {
  func.func @_body(%arg0: i32, %arg1: i32, %arg2: memref<4x8x4x128xi32, #tpu.memory_space<hbm>>, %arg3: memref<64x128xf32, #tpu.memory_space<hbm>>, %arg4: memref<1000000x128xf32, #tpu.memory_space<hbm>>, %arg5: memref<4x64x128xf32, #tpu.memory_space<hbm>>, %arg6: memref<4x4096x128xf32, #tpu.memory_space<hbm>>, %arg7: memref<4x128xi32, #tpu.memory_space<vmem>>, %arg8: memref<512x128xf32, #tpu.memory_space<vmem>>, %arg9: memref<8x128xf32, #tpu.memory_space<vmem>>, %arg10: memref<!tpu.dma_semaphore, #tpu.memory_space<semaphore_mem>>, %arg11: memref<!tpu.dma_semaphore, #tpu.memory_space<semaphore_mem>>, %arg12: memref<!tpu.dma_semaphore, #tpu.memory_space<semaphore_mem>>, %arg13: memref<!tpu.dma_semaphore, #tpu.memory_space<semaphore_mem>>, %arg14: memref<!tpu.dma_semaphore, #tpu.memory_space<semaphore_mem>>) attributes {dimension_semantics = [#tpu.dimension_semantics<core_parallel>, #tpu.dimension_semantics<subcore_parallel>], iteration_bounds = array<i64: 2, 16>, scalar_prefetch = 0 : i64, scratch_operands = 8 : i64, tpu.core_type = #tpu.core_type<sc_vector_subcore>, window_params = [{transform_indices = #map}, {transform_indices = #map1}, {transform_indices = #map1}, {transform_indices = #map2}, {transform_indices = #map2}]} {
    %mul3A = arith.constant 16 : i32
    %mul3A_0 = arith.muli %arg0, %mul3A : i32
    %add3A = arith.addi %mul3A_0, %arg1 : i32
    %div3A = arith.constant 8 : i32
    %div3A_1 = arith.divsi %add3A, %div3A : i32
    %rem3A = arith.constant 8 : i32
    %rem3A_2 = arith.remsi %add3A, %rem3A : i32
    "tpu.region"() ({
      %run_scoped3A = tpu.sem_alloc : memref<!tpu.dma_semaphore, #tpu.memory_space<semaphore_mem>>
      %dma_start3A_189 = arith.constant 0 : i32
      %dma_start3A_190 = arith.constant 0 : i32
      %dma_start3A_191 = tpu.memref_slice %arg2[%div3A_1, %rem3A_2, %dma_start3A_189, %dma_start3A_190] : memref<4x8x4x128xi32, #tpu.memory_space<hbm>> -> memref<1x1x4x128xi32, #tpu.memory_space<hbm>>
      %dma_start3A_192 = tpu.memref_squeeze %dma_start3A_191 : memref<1x1x4x128xi32, #tpu.memory_space<hbm>> -> memref<4x128xi32, #tpu.memory_space<hbm>>
      %dma_start3A_193 = arith.constant 0 : i32
      %dma_start3A_194 = arith.constant 0 : i32
      %dma_start3A_195 = tpu.memref_slice %arg2[%div3A_1, %rem3A_2, %dma_start3A_193, %dma_start3A_194] : memref<4x8x4x128xi32, #tpu.memory_space<hbm>> -> memref<1x1x4x128xi32, #tpu.memory_space<hbm>>
      %dma_start3A_196 = tpu.memref_squeeze %dma_start3A_195 : memref<1x1x4x128xi32, #tpu.memory_space<hbm>> -> memref<4x128xi32, #tpu.memory_space<hbm>>
      tpu.enqueue_dma source(%dma_start3A_196 : memref<4x128xi32, #tpu.memory_space<hbm>>) target(%arg7 : memref<4x128xi32, #tpu.memory_space<vmem>>) target_semaphore(%run_scoped3A : memref<!tpu.dma_semaphore, #tpu.memory_space<semaphore_mem>>)
      %dma_wait3A_197 = arith.constant 0 : i32
      %dma_wait3A_198 = arith.constant 0 : i32
      %dma_wait3A_199 = tpu.memref_slice %arg2[%div3A_1, %rem3A_2, %dma_wait3A_197, %dma_wait3A_198] : memref<4x8x4x128xi32, #tpu.memory_space<hbm>> -> memref<1x1x4x128xi32, #tpu.memory_space<hbm>>
      %dma_wait3A_200 = tpu.memref_squeeze %dma_wait3A_199 : memref<1x1x4x128xi32, #tpu.memory_space<hbm>> -> memref<4x128xi32, #tpu.memory_space<hbm>>
      %dma_wait3A_201 = arith.constant 0 : i32
      %dma_wait3A_202 = arith.constant 0 : i32
      %dma_wait3A_203 = tpu.memref_slice %arg2[%div3A_1, %rem3A_2, %dma_wait3A_201, %dma_wait3A_202] : memref<4x8x4x128xi32, #tpu.memory_space<hbm>> -> memref<1x1x4x128xi32, #tpu.memory_space<hbm>>
      %dma_wait3A_204 = tpu.memref_squeeze %dma_wait3A_203 : memref<1x1x4x128xi32, #tpu.memory_space<hbm>> -> memref<4x128xi32, #tpu.memory_space<hbm>>
      tpu.wait_dma2 semaphore(%run_scoped3A : memref<!tpu.dma_semaphore, #tpu.memory_space<semaphore_mem>>) src(%dma_wait3A_204 : memref<4x128xi32, #tpu.memory_space<hbm>>) dst(%arg7 : memref<4x128xi32, #tpu.memory_space<vmem>>)
      tpu.yield
    }) : () -> ()
    %dma_start3A = arith.constant 0 : i32
    %dma_start3A_3 = arith.constant 0 : i32
    %dma_start3A_4 = arith.constant 0 : i32
    %dma_start3A_5 = tpu.memref_slice %arg8[%dma_start3A_3, %dma_start3A_4] : memref<512x128xf32, #tpu.memory_space<vmem>> -> memref<128x128xf32, #tpu.memory_space<vmem>>
    %dma_start3A_6 = arith.constant 0 : i32
    %dma_start3A_7 = tpu.memref_slice %arg7[%dma_start3A, %dma_start3A_6] : memref<4x128xi32, #tpu.memory_space<vmem>> -> memref<1x128xi32, #tpu.memory_space<vmem>>
    %dma_start3A_8 = tpu.memref_squeeze %dma_start3A_7 : memref<1x128xi32, #tpu.memory_space<vmem>> -> memref<128xi32, #tpu.memory_space<vmem>>
    %dma_start3A_9 = arith.constant 0 : i32
    %dma_start3A_10 = arith.constant 0 : i32
    %dma_start3A_11 = tpu.memref_slice %arg4[%dma_start3A_9, %dma_start3A_10] : memref<1000000x128xf32, #tpu.memory_space<hbm>> -> memref<1000000x128xf32, #tpu.memory_space<hbm>>
    tpu.enqueue_indirect_dma source(%dma_start3A_11 : memref<1000000x128xf32, #tpu.memory_space<hbm>>) target(%dma_start3A_5 : memref<128x128xf32, #tpu.memory_space<vmem>>) offsets(%dma_start3A_8 : memref<128xi32, #tpu.memory_space<vmem>>) semaphore(%arg10 : memref<!tpu.dma_semaphore, #tpu.memory_space<semaphore_mem>>)
    %dma_start3A_12 = arith.constant 1 : i32
    %dma_start3A_13 = arith.constant 128 : i32
    %dma_start3A_14 = arith.constant 0 : i32
    %dma_start3A_15 = tpu.memref_slice %arg8[%dma_start3A_13, %dma_start3A_14] : memref<512x128xf32, #tpu.memory_space<vmem>> -> memref<128x128xf32, #tpu.memory_space<vmem>>
    %dma_start3A_16 = arith.constant 0 : i32
    %dma_start3A_17 = tpu.memref_slice %arg7[%dma_start3A_12, %dma_start3A_16] : memref<4x128xi32, #tpu.memory_space<vmem>> -> memref<1x128xi32, #tpu.memory_space<vmem>>
    %dma_start3A_18 = tpu.memref_squeeze %dma_start3A_17 : memref<1x128xi32, #tpu.memory_space<vmem>> -> memref<128xi32, #tpu.memory_space<vmem>>
    %dma_start3A_19 = arith.constant 0 : i32
    %dma_start3A_20 = arith.constant 0 : i32
    %dma_start3A_21 = tpu.memref_slice %arg4[%dma_start3A_19, %dma_start3A_20] : memref<1000000x128xf32, #tpu.memory_space<hbm>> -> memref<1000000x128xf32, #tpu.memory_space<hbm>>
    tpu.enqueue_indirect_dma source(%dma_start3A_21 : memref<1000000x128xf32, #tpu.memory_space<hbm>>) target(%dma_start3A_15 : memref<128x128xf32, #tpu.memory_space<vmem>>) offsets(%dma_start3A_18 : memref<128xi32, #tpu.memory_space<vmem>>) semaphore(%arg11 : memref<!tpu.dma_semaphore, #tpu.memory_space<semaphore_mem>>)
    %dma_start3A_22 = arith.constant 2 : i32
    %dma_start3A_23 = arith.constant 256 : i32
    %dma_start3A_24 = arith.constant 0 : i32
    %dma_start3A_25 = tpu.memref_slice %arg8[%dma_start3A_23, %dma_start3A_24] : memref<512x128xf32, #tpu.memory_space<vmem>> -> memref<128x128xf32, #tpu.memory_space<vmem>>
    %dma_start3A_26 = arith.constant 0 : i32
    %dma_start3A_27 = tpu.memref_slice %arg7[%dma_start3A_22, %dma_start3A_26] : memref<4x128xi32, #tpu.memory_space<vmem>> -> memref<1x128xi32, #tpu.memory_space<vmem>>
    %dma_start3A_28 = tpu.memref_squeeze %dma_start3A_27 : memref<1x128xi32, #tpu.memory_space<vmem>> -> memref<128xi32, #tpu.memory_space<vmem>>
    %dma_start3A_29 = arith.constant 0 : i32
    %dma_start3A_30 = arith.constant 0 : i32
    %dma_start3A_31 = tpu.memref_slice %arg4[%dma_start3A_29, %dma_start3A_30] : memref<1000000x128xf32, #tpu.memory_space<hbm>> -> memref<1000000x128xf32, #tpu.memory_space<hbm>>
    tpu.enqueue_indirect_dma source(%dma_start3A_31 : memref<1000000x128xf32, #tpu.memory_space<hbm>>) target(%dma_start3A_25 : memref<128x128xf32, #tpu.memory_space<vmem>>) offsets(%dma_start3A_28 : memref<128xi32, #tpu.memory_space<vmem>>) semaphore(%arg12 : memref<!tpu.dma_semaphore, #tpu.memory_space<semaphore_mem>>)
    %dma_start3A_32 = arith.constant 3 : i32
    %dma_start3A_33 = arith.constant 384 : i32
    %dma_start3A_34 = arith.constant 0 : i32
    %dma_start3A_35 = tpu.memref_slice %arg8[%dma_start3A_33, %dma_start3A_34] : memref<512x128xf32, #tpu.memory_space<vmem>> -> memref<128x128xf32, #tpu.memory_space<vmem>>
    %dma_start3A_36 = arith.constant 0 : i32
    %dma_start3A_37 = tpu.memref_slice %arg7[%dma_start3A_32, %dma_start3A_36] : memref<4x128xi32, #tpu.memory_space<vmem>> -> memref<1x128xi32, #tpu.memory_space<vmem>>
    %dma_start3A_38 = tpu.memref_squeeze %dma_start3A_37 : memref<1x128xi32, #tpu.memory_space<vmem>> -> memref<128xi32, #tpu.memory_space<vmem>>
    %dma_start3A_39 = arith.constant 0 : i32
    %dma_start3A_40 = arith.constant 0 : i32
    %dma_start3A_41 = tpu.memref_slice %arg4[%dma_start3A_39, %dma_start3A_40] : memref<1000000x128xf32, #tpu.memory_space<hbm>> -> memref<1000000x128xf32, #tpu.memory_space<hbm>>
    tpu.enqueue_indirect_dma source(%dma_start3A_41 : memref<1000000x128xf32, #tpu.memory_space<hbm>>) target(%dma_start3A_35 : memref<128x128xf32, #tpu.memory_space<vmem>>) offsets(%dma_start3A_38 : memref<128xi32, #tpu.memory_space<vmem>>) semaphore(%arg13 : memref<!tpu.dma_semaphore, #tpu.memory_space<semaphore_mem>>)
    %mul3A_42 = arith.constant 512 : i32
    %mul3A_43 = arith.muli %rem3A_2, %mul3A_42 : i32
    %dma_wait3A = arith.constant 0 : i32
    %dma_wait3A_44 = arith.constant 0 : i32
    %dma_wait3A_45 = arith.constant 0 : i32
    %dma_wait3A_46 = tpu.memref_slice %arg8[%dma_wait3A_44, %dma_wait3A_45] : memref<512x128xf32, #tpu.memory_space<vmem>> -> memref<128x128xf32, #tpu.memory_space<vmem>>
    %dma_wait3A_47 = arith.constant 0 : i32
    %dma_wait3A_48 = tpu.memref_slice %arg7[%dma_wait3A, %dma_wait3A_47] : memref<4x128xi32, #tpu.memory_space<vmem>> -> memref<1x128xi32, #tpu.memory_space<vmem>>
    %dma_wait3A_49 = tpu.memref_squeeze %dma_wait3A_48 : memref<1x128xi32, #tpu.memory_space<vmem>> -> memref<128xi32, #tpu.memory_space<vmem>>
    %dma_wait3A_50 = arith.constant 0 : i32
    %dma_wait3A_51 = arith.constant 0 : i32
    %dma_wait3A_52 = tpu.memref_slice %arg4[%dma_wait3A_50, %dma_wait3A_51] : memref<1000000x128xf32, #tpu.memory_space<hbm>> -> memref<1000000x128xf32, #tpu.memory_space<hbm>>
    tpu.wait_indirect_dma semaphore(%arg10 : memref<!tpu.dma_semaphore, #tpu.memory_space<semaphore_mem>>) src(%dma_wait3A_52 : memref<1000000x128xf32, #tpu.memory_space<hbm>>) dst(%dma_wait3A_46 : memref<128x128xf32, #tpu.memory_space<vmem>>)
    %add3A_53 = arith.constant 0 : i32
    %add3A_54 = arith.addi %mul3A_43, %add3A_53 : i32
    %dma_start3A_55 = arith.constant 0 : i32
    %dma_start3A_56 = arith.constant 0 : i32
    %dma_start3A_57 = tpu.memref_slice %arg8[%dma_start3A_55, %dma_start3A_56] : memref<512x128xf32, #tpu.memory_space<vmem>> -> memref<128x128xf32, #tpu.memory_space<vmem>>
    %dma_start3A_58 = arith.constant 0 : i32
    %dma_start3A_59 = tpu.memref_slice %arg6[%div3A_1, %add3A_54, %dma_start3A_58] : memref<4x4096x128xf32, #tpu.memory_space<hbm>> -> memref<1x128x128xf32, #tpu.memory_space<hbm>>
    %dma_start3A_60 = tpu.memref_squeeze %dma_start3A_59 : memref<1x128x128xf32, #tpu.memory_space<hbm>> -> memref<128x128xf32, #tpu.memory_space<hbm>>
    %dma_start3A_61 = arith.constant 0 : i32
    %dma_start3A_62 = tpu.memref_slice %arg6[%div3A_1, %add3A_54, %dma_start3A_61] : memref<4x4096x128xf32, #tpu.memory_space<hbm>> -> memref<1x128x128xf32, #tpu.memory_space<hbm>>
    %dma_start3A_63 = tpu.memref_squeeze %dma_start3A_62 : memref<1x128x128xf32, #tpu.memory_space<hbm>> -> memref<128x128xf32, #tpu.memory_space<hbm>>
    %dma_start3A_64 = arith.constant 0 : i32
    %dma_start3A_65 = arith.constant 0 : i32
    %dma_start3A_66 = tpu.memref_slice %arg8[%dma_start3A_64, %dma_start3A_65] : memref<512x128xf32, #tpu.memory_space<vmem>> -> memref<128x128xf32, #tpu.memory_space<vmem>>
    tpu.enqueue_dma source(%dma_start3A_66 : memref<128x128xf32, #tpu.memory_space<vmem>>) target(%dma_start3A_63 : memref<128x128xf32, #tpu.memory_space<hbm>>) target_semaphore(%arg14 : memref<!tpu.dma_semaphore, #tpu.memory_space<semaphore_mem>>)
    %dma_wait3A_67 = arith.constant 1 : i32
    %dma_wait3A_68 = arith.constant 128 : i32
    %dma_wait3A_69 = arith.constant 0 : i32
    %dma_wait3A_70 = tpu.memref_slice %arg8[%dma_wait3A_68, %dma_wait3A_69] : memref<512x128xf32, #tpu.memory_space<vmem>> -> memref<128x128xf32, #tpu.memory_space<vmem>>
    %dma_wait3A_71 = arith.constant 0 : i32
    %dma_wait3A_72 = tpu.memref_slice %arg7[%dma_wait3A_67, %dma_wait3A_71] : memref<4x128xi32, #tpu.memory_space<vmem>> -> memref<1x128xi32, #tpu.memory_space<vmem>>
    %dma_wait3A_73 = tpu.memref_squeeze %dma_wait3A_72 : memref<1x128xi32, #tpu.memory_space<vmem>> -> memref<128xi32, #tpu.memory_space<vmem>>
    %dma_wait3A_74 = arith.constant 0 : i32
    %dma_wait3A_75 = arith.constant 0 : i32
    %dma_wait3A_76 = tpu.memref_slice %arg4[%dma_wait3A_74, %dma_wait3A_75] : memref<1000000x128xf32, #tpu.memory_space<hbm>> -> memref<1000000x128xf32, #tpu.memory_space<hbm>>
    tpu.wait_indirect_dma semaphore(%arg11 : memref<!tpu.dma_semaphore, #tpu.memory_space<semaphore_mem>>) src(%dma_wait3A_76 : memref<1000000x128xf32, #tpu.memory_space<hbm>>) dst(%dma_wait3A_70 : memref<128x128xf32, #tpu.memory_space<vmem>>)
    %add3A_77 = arith.constant 128 : i32
    %add3A_78 = arith.addi %mul3A_43, %add3A_77 : i32
    %dma_start3A_79 = arith.constant 128 : i32
    %dma_start3A_80 = arith.constant 0 : i32
    %dma_start3A_81 = tpu.memref_slice %arg8[%dma_start3A_79, %dma_start3A_80] : memref<512x128xf32, #tpu.memory_space<vmem>> -> memref<128x128xf32, #tpu.memory_space<vmem>>
    %dma_start3A_82 = arith.constant 0 : i32
    %dma_start3A_83 = tpu.memref_slice %arg6[%div3A_1, %add3A_78, %dma_start3A_82] : memref<4x4096x128xf32, #tpu.memory_space<hbm>> -> memref<1x128x128xf32, #tpu.memory_space<hbm>>
    %dma_start3A_84 = tpu.memref_squeeze %dma_start3A_83 : memref<1x128x128xf32, #tpu.memory_space<hbm>> -> memref<128x128xf32, #tpu.memory_space<hbm>>
    %dma_start3A_85 = arith.constant 0 : i32
    %dma_start3A_86 = tpu.memref_slice %arg6[%div3A_1, %add3A_78, %dma_start3A_85] : memref<4x4096x128xf32, #tpu.memory_space<hbm>> -> memref<1x128x128xf32, #tpu.memory_space<hbm>>
    %dma_start3A_87 = tpu.memref_squeeze %dma_start3A_86 : memref<1x128x128xf32, #tpu.memory_space<hbm>> -> memref<128x128xf32, #tpu.memory_space<hbm>>
    %dma_start3A_88 = arith.constant 128 : i32
    %dma_start3A_89 = arith.constant 0 : i32
    %dma_start3A_90 = tpu.memref_slice %arg8[%dma_start3A_88, %dma_start3A_89] : memref<512x128xf32, #tpu.memory_space<vmem>> -> memref<128x128xf32, #tpu.memory_space<vmem>>
    tpu.enqueue_dma source(%dma_start3A_90 : memref<128x128xf32, #tpu.memory_space<vmem>>) target(%dma_start3A_87 : memref<128x128xf32, #tpu.memory_space<hbm>>) target_semaphore(%arg14 : memref<!tpu.dma_semaphore, #tpu.memory_space<semaphore_mem>>)
    %dma_wait3A_91 = arith.constant 2 : i32
    %dma_wait3A_92 = arith.constant 256 : i32
    %dma_wait3A_93 = arith.constant 0 : i32
    %dma_wait3A_94 = tpu.memref_slice %arg8[%dma_wait3A_92, %dma_wait3A_93] : memref<512x128xf32, #tpu.memory_space<vmem>> -> memref<128x128xf32, #tpu.memory_space<vmem>>
    %dma_wait3A_95 = arith.constant 0 : i32
    %dma_wait3A_96 = tpu.memref_slice %arg7[%dma_wait3A_91, %dma_wait3A_95] : memref<4x128xi32, #tpu.memory_space<vmem>> -> memref<1x128xi32, #tpu.memory_space<vmem>>
    %dma_wait3A_97 = tpu.memref_squeeze %dma_wait3A_96 : memref<1x128xi32, #tpu.memory_space<vmem>> -> memref<128xi32, #tpu.memory_space<vmem>>
    %dma_wait3A_98 = arith.constant 0 : i32
    %dma_wait3A_99 = arith.constant 0 : i32
    %dma_wait3A_100 = tpu.memref_slice %arg4[%dma_wait3A_98, %dma_wait3A_99] : memref<1000000x128xf32, #tpu.memory_space<hbm>> -> memref<1000000x128xf32, #tpu.memory_space<hbm>>
    tpu.wait_indirect_dma semaphore(%arg12 : memref<!tpu.dma_semaphore, #tpu.memory_space<semaphore_mem>>) src(%dma_wait3A_100 : memref<1000000x128xf32, #tpu.memory_space<hbm>>) dst(%dma_wait3A_94 : memref<128x128xf32, #tpu.memory_space<vmem>>)
    %add3A_101 = arith.constant 256 : i32
    %add3A_102 = arith.addi %mul3A_43, %add3A_101 : i32
    %dma_start3A_103 = arith.constant 256 : i32
    %dma_start3A_104 = arith.constant 0 : i32
    %dma_start3A_105 = tpu.memref_slice %arg8[%dma_start3A_103, %dma_start3A_104] : memref<512x128xf32, #tpu.memory_space<vmem>> -> memref<128x128xf32, #tpu.memory_space<vmem>>
    %dma_start3A_106 = arith.constant 0 : i32
    %dma_start3A_107 = tpu.memref_slice %arg6[%div3A_1, %add3A_102, %dma_start3A_106] : memref<4x4096x128xf32, #tpu.memory_space<hbm>> -> memref<1x128x128xf32, #tpu.memory_space<hbm>>
    %dma_start3A_108 = tpu.memref_squeeze %dma_start3A_107 : memref<1x128x128xf32, #tpu.memory_space<hbm>> -> memref<128x128xf32, #tpu.memory_space<hbm>>
    %dma_start3A_109 = arith.constant 0 : i32
    %dma_start3A_110 = tpu.memref_slice %arg6[%div3A_1, %add3A_102, %dma_start3A_109] : memref<4x4096x128xf32, #tpu.memory_space<hbm>> -> memref<1x128x128xf32, #tpu.memory_space<hbm>>
    %dma_start3A_111 = tpu.memref_squeeze %dma_start3A_110 : memref<1x128x128xf32, #tpu.memory_space<hbm>> -> memref<128x128xf32, #tpu.memory_space<hbm>>
    %dma_start3A_112 = arith.constant 256 : i32
    %dma_start3A_113 = arith.constant 0 : i32
    %dma_start3A_114 = tpu.memref_slice %arg8[%dma_start3A_112, %dma_start3A_113] : memref<512x128xf32, #tpu.memory_space<vmem>> -> memref<128x128xf32, #tpu.memory_space<vmem>>
    tpu.enqueue_dma source(%dma_start3A_114 : memref<128x128xf32, #tpu.memory_space<vmem>>) target(%dma_start3A_111 : memref<128x128xf32, #tpu.memory_space<hbm>>) target_semaphore(%arg14 : memref<!tpu.dma_semaphore, #tpu.memory_space<semaphore_mem>>)
    %dma_wait3A_115 = arith.constant 3 : i32
    %dma_wait3A_116 = arith.constant 384 : i32
    %dma_wait3A_117 = arith.constant 0 : i32
    %dma_wait3A_118 = tpu.memref_slice %arg8[%dma_wait3A_116, %dma_wait3A_117] : memref<512x128xf32, #tpu.memory_space<vmem>> -> memref<128x128xf32, #tpu.memory_space<vmem>>
    %dma_wait3A_119 = arith.constant 0 : i32
    %dma_wait3A_120 = tpu.memref_slice %arg7[%dma_wait3A_115, %dma_wait3A_119] : memref<4x128xi32, #tpu.memory_space<vmem>> -> memref<1x128xi32, #tpu.memory_space<vmem>>
    %dma_wait3A_121 = tpu.memref_squeeze %dma_wait3A_120 : memref<1x128xi32, #tpu.memory_space<vmem>> -> memref<128xi32, #tpu.memory_space<vmem>>
    %dma_wait3A_122 = arith.constant 0 : i32
    %dma_wait3A_123 = arith.constant 0 : i32
    %dma_wait3A_124 = tpu.memref_slice %arg4[%dma_wait3A_122, %dma_wait3A_123] : memref<1000000x128xf32, #tpu.memory_space<hbm>> -> memref<1000000x128xf32, #tpu.memory_space<hbm>>
    tpu.wait_indirect_dma semaphore(%arg13 : memref<!tpu.dma_semaphore, #tpu.memory_space<semaphore_mem>>) src(%dma_wait3A_124 : memref<1000000x128xf32, #tpu.memory_space<hbm>>) dst(%dma_wait3A_118 : memref<128x128xf32, #tpu.memory_space<vmem>>)
    %add3A_125 = arith.constant 384 : i32
    %add3A_126 = arith.addi %mul3A_43, %add3A_125 : i32
    %dma_start3A_127 = arith.constant 384 : i32
    %dma_start3A_128 = arith.constant 0 : i32
    %dma_start3A_129 = tpu.memref_slice %arg8[%dma_start3A_127, %dma_start3A_128] : memref<512x128xf32, #tpu.memory_space<vmem>> -> memref<128x128xf32, #tpu.memory_space<vmem>>
    %dma_start3A_130 = arith.constant 0 : i32
    %dma_start3A_131 = tpu.memref_slice %arg6[%div3A_1, %add3A_126, %dma_start3A_130] : memref<4x4096x128xf32, #tpu.memory_space<hbm>> -> memref<1x128x128xf32, #tpu.memory_space<hbm>>
    %dma_start3A_132 = tpu.memref_squeeze %dma_start3A_131 : memref<1x128x128xf32, #tpu.memory_space<hbm>> -> memref<128x128xf32, #tpu.memory_space<hbm>>
    %dma_start3A_133 = arith.constant 0 : i32
    %dma_start3A_134 = tpu.memref_slice %arg6[%div3A_1, %add3A_126, %dma_start3A_133] : memref<4x4096x128xf32, #tpu.memory_space<hbm>> -> memref<1x128x128xf32, #tpu.memory_space<hbm>>
    %dma_start3A_135 = tpu.memref_squeeze %dma_start3A_134 : memref<1x128x128xf32, #tpu.memory_space<hbm>> -> memref<128x128xf32, #tpu.memory_space<hbm>>
    %dma_start3A_136 = arith.constant 384 : i32
    %dma_start3A_137 = arith.constant 0 : i32
    %dma_start3A_138 = tpu.memref_slice %arg8[%dma_start3A_136, %dma_start3A_137] : memref<512x128xf32, #tpu.memory_space<vmem>> -> memref<128x128xf32, #tpu.memory_space<vmem>>
    tpu.enqueue_dma source(%dma_start3A_138 : memref<128x128xf32, #tpu.memory_space<vmem>>) target(%dma_start3A_135 : memref<128x128xf32, #tpu.memory_space<hbm>>) target_semaphore(%arg14 : memref<!tpu.dma_semaphore, #tpu.memory_space<semaphore_mem>>)
    %mul3A_139 = arith.constant 8 : i32
    %mul3A_140 = arith.muli %rem3A_2, %mul3A_139 : i32
    "tpu.region"() ({
      %run_scoped3A = tpu.sem_alloc : memref<!tpu.dma_semaphore, #tpu.memory_space<semaphore_mem>>
      %dma_start3A_189 = arith.constant 0 : i32
      %dma_start3A_190 = tpu.memref_slice %arg3[%mul3A_140, %dma_start3A_189] : memref<64x128xf32, #tpu.memory_space<hbm>> -> memref<8x128xf32, #tpu.memory_space<hbm>>
      %dma_start3A_191 = arith.constant 0 : i32
      %dma_start3A_192 = tpu.memref_slice %arg3[%mul3A_140, %dma_start3A_191] : memref<64x128xf32, #tpu.memory_space<hbm>> -> memref<8x128xf32, #tpu.memory_space<hbm>>
      tpu.enqueue_dma source(%dma_start3A_192 : memref<8x128xf32, #tpu.memory_space<hbm>>) target(%arg9 : memref<8x128xf32, #tpu.memory_space<vmem>>) target_semaphore(%run_scoped3A : memref<!tpu.dma_semaphore, #tpu.memory_space<semaphore_mem>>)
      %dma_wait3A_193 = arith.constant 0 : i32
      %dma_wait3A_194 = tpu.memref_slice %arg3[%mul3A_140, %dma_wait3A_193] : memref<64x128xf32, #tpu.memory_space<hbm>> -> memref<8x128xf32, #tpu.memory_space<hbm>>
      %dma_wait3A_195 = arith.constant 0 : i32
      %dma_wait3A_196 = tpu.memref_slice %arg3[%mul3A_140, %dma_wait3A_195] : memref<64x128xf32, #tpu.memory_space<hbm>> -> memref<8x128xf32, #tpu.memory_space<hbm>>
      tpu.wait_dma2 semaphore(%run_scoped3A : memref<!tpu.dma_semaphore, #tpu.memory_space<semaphore_mem>>) src(%dma_wait3A_196 : memref<8x128xf32, #tpu.memory_space<hbm>>) dst(%arg9 : memref<8x128xf32, #tpu.memory_space<vmem>>)
      tpu.yield
    }) : () -> ()
    "tpu.region"() ({
      %run_scoped3A = tpu.sem_alloc : memref<!tpu.dma_semaphore, #tpu.memory_space<semaphore_mem>>
      %dma_start3A_189 = arith.constant 0 : i32
      %dma_start3A_190 = tpu.memref_slice %arg5[%div3A_1, %mul3A_140, %dma_start3A_189] : memref<4x64x128xf32, #tpu.memory_space<hbm>> -> memref<1x8x128xf32, #tpu.memory_space<hbm>>
      %dma_start3A_191 = tpu.memref_squeeze %dma_start3A_190 : memref<1x8x128xf32, #tpu.memory_space<hbm>> -> memref<8x128xf32, #tpu.memory_space<hbm>>
      %dma_start3A_192 = arith.constant 0 : i32
      %dma_start3A_193 = tpu.memref_slice %arg5[%div3A_1, %mul3A_140, %dma_start3A_192] : memref<4x64x128xf32, #tpu.memory_space<hbm>> -> memref<1x8x128xf32, #tpu.memory_space<hbm>>
      %dma_start3A_194 = tpu.memref_squeeze %dma_start3A_193 : memref<1x8x128xf32, #tpu.memory_space<hbm>> -> memref<8x128xf32, #tpu.memory_space<hbm>>
      tpu.enqueue_dma source(%arg9 : memref<8x128xf32, #tpu.memory_space<vmem>>) target(%dma_start3A_194 : memref<8x128xf32, #tpu.memory_space<hbm>>) target_semaphore(%run_scoped3A : memref<!tpu.dma_semaphore, #tpu.memory_space<semaphore_mem>>)
      %dma_wait3A_195 = arith.constant 0 : i32
      %dma_wait3A_196 = tpu.memref_slice %arg5[%div3A_1, %mul3A_140, %dma_wait3A_195] : memref<4x64x128xf32, #tpu.memory_space<hbm>> -> memref<1x8x128xf32, #tpu.memory_space<hbm>>
      %dma_wait3A_197 = tpu.memref_squeeze %dma_wait3A_196 : memref<1x8x128xf32, #tpu.memory_space<hbm>> -> memref<8x128xf32, #tpu.memory_space<hbm>>
      %dma_wait3A_198 = arith.constant 0 : i32
      %dma_wait3A_199 = tpu.memref_slice %arg5[%div3A_1, %mul3A_140, %dma_wait3A_198] : memref<4x64x128xf32, #tpu.memory_space<hbm>> -> memref<1x8x128xf32, #tpu.memory_space<hbm>>
      %dma_wait3A_200 = tpu.memref_squeeze %dma_wait3A_199 : memref<1x8x128xf32, #tpu.memory_space<hbm>> -> memref<8x128xf32, #tpu.memory_space<hbm>>
      tpu.wait_dma2 semaphore(%run_scoped3A : memref<!tpu.dma_semaphore, #tpu.memory_space<semaphore_mem>>) src(%arg9 : memref<8x128xf32, #tpu.memory_space<vmem>>) dst(%dma_wait3A_200 : memref<8x128xf32, #tpu.memory_space<hbm>>)
      tpu.yield
    }) : () -> ()
    %dma_wait3A_141 = arith.constant 0 : i32
    %dma_wait3A_142 = arith.constant 0 : i32
    %dma_wait3A_143 = tpu.memref_slice %arg8[%dma_wait3A_141, %dma_wait3A_142] : memref<512x128xf32, #tpu.memory_space<vmem>> -> memref<128x128xf32, #tpu.memory_space<vmem>>
    %dma_wait3A_144 = arith.constant 0 : i32
    %dma_wait3A_145 = tpu.memref_slice %arg6[%div3A_1, %add3A_54, %dma_wait3A_144] : memref<4x4096x128xf32, #tpu.memory_space<hbm>> -> memref<1x128x128xf32, #tpu.memory_space<hbm>>
    %dma_wait3A_146 = tpu.memref_squeeze %dma_wait3A_145 : memref<1x128x128xf32, #tpu.memory_space<hbm>> -> memref<128x128xf32, #tpu.memory_space<hbm>>
    %dma_wait3A_147 = arith.constant 0 : i32
    %dma_wait3A_148 = tpu.memref_slice %arg6[%div3A_1, %add3A_54, %dma_wait3A_147] : memref<4x4096x128xf32, #tpu.memory_space<hbm>> -> memref<1x128x128xf32, #tpu.memory_space<hbm>>
    %dma_wait3A_149 = tpu.memref_squeeze %dma_wait3A_148 : memref<1x128x128xf32, #tpu.memory_space<hbm>> -> memref<128x128xf32, #tpu.memory_space<hbm>>
    %dma_wait3A_150 = arith.constant 0 : i32
    %dma_wait3A_151 = arith.constant 0 : i32
    %dma_wait3A_152 = tpu.memref_slice %arg8[%dma_wait3A_150, %dma_wait3A_151] : memref<512x128xf32, #tpu.memory_space<vmem>> -> memref<128x128xf32, #tpu.memory_space<vmem>>
    tpu.wait_dma2 semaphore(%arg14 : memref<!tpu.dma_semaphore, #tpu.memory_space<semaphore_mem>>) src(%dma_wait3A_152 : memref<128x128xf32, #tpu.memory_space<vmem>>) dst(%dma_wait3A_149 : memref<128x128xf32, #tpu.memory_space<hbm>>)
    %dma_wait3A_153 = arith.constant 128 : i32
    %dma_wait3A_154 = arith.constant 0 : i32
    %dma_wait3A_155 = tpu.memref_slice %arg8[%dma_wait3A_153, %dma_wait3A_154] : memref<512x128xf32, #tpu.memory_space<vmem>> -> memref<128x128xf32, #tpu.memory_space<vmem>>
    %dma_wait3A_156 = arith.constant 0 : i32
    %dma_wait3A_157 = tpu.memref_slice %arg6[%div3A_1, %add3A_78, %dma_wait3A_156] : memref<4x4096x128xf32, #tpu.memory_space<hbm>> -> memref<1x128x128xf32, #tpu.memory_space<hbm>>
    %dma_wait3A_158 = tpu.memref_squeeze %dma_wait3A_157 : memref<1x128x128xf32, #tpu.memory_space<hbm>> -> memref<128x128xf32, #tpu.memory_space<hbm>>
    %dma_wait3A_159 = arith.constant 0 : i32
    %dma_wait3A_160 = tpu.memref_slice %arg6[%div3A_1, %add3A_78, %dma_wait3A_159] : memref<4x4096x128xf32, #tpu.memory_space<hbm>> -> memref<1x128x128xf32, #tpu.memory_space<hbm>>
    %dma_wait3A_161 = tpu.memref_squeeze %dma_wait3A_160 : memref<1x128x128xf32, #tpu.memory_space<hbm>> -> memref<128x128xf32, #tpu.memory_space<hbm>>
    %dma_wait3A_162 = arith.constant 128 : i32
    %dma_wait3A_163 = arith.constant 0 : i32
    %dma_wait3A_164 = tpu.memref_slice %arg8[%dma_wait3A_162, %dma_wait3A_163] : memref<512x128xf32, #tpu.memory_space<vmem>> -> memref<128x128xf32, #tpu.memory_space<vmem>>
    tpu.wait_dma2 semaphore(%arg14 : memref<!tpu.dma_semaphore, #tpu.memory_space<semaphore_mem>>) src(%dma_wait3A_164 : memref<128x128xf32, #tpu.memory_space<vmem>>) dst(%dma_wait3A_161 : memref<128x128xf32, #tpu.memory_space<hbm>>)
    %dma_wait3A_165 = arith.constant 256 : i32
    %dma_wait3A_166 = arith.constant 0 : i32
    %dma_wait3A_167 = tpu.memref_slice %arg8[%dma_wait3A_165, %dma_wait3A_166] : memref<512x128xf32, #tpu.memory_space<vmem>> -> memref<128x128xf32, #tpu.memory_space<vmem>>
    %dma_wait3A_168 = arith.constant 0 : i32
    %dma_wait3A_169 = tpu.memref_slice %arg6[%div3A_1, %add3A_102, %dma_wait3A_168] : memref<4x4096x128xf32, #tpu.memory_space<hbm>> -> memref<1x128x128xf32, #tpu.memory_space<hbm>>
    %dma_wait3A_170 = tpu.memref_squeeze %dma_wait3A_169 : memref<1x128x128xf32, #tpu.memory_space<hbm>> -> memref<128x128xf32, #tpu.memory_space<hbm>>
    %dma_wait3A_171 = arith.constant 0 : i32
    %dma_wait3A_172 = tpu.memref_slice %arg6[%div3A_1, %add3A_102, %dma_wait3A_171] : memref<4x4096x128xf32, #tpu.memory_space<hbm>> -> memref<1x128x128xf32, #tpu.memory_space<hbm>>
    %dma_wait3A_173 = tpu.memref_squeeze %dma_wait3A_172 : memref<1x128x128xf32, #tpu.memory_space<hbm>> -> memref<128x128xf32, #tpu.memory_space<hbm>>
    %dma_wait3A_174 = arith.constant 256 : i32
    %dma_wait3A_175 = arith.constant 0 : i32
    %dma_wait3A_176 = tpu.memref_slice %arg8[%dma_wait3A_174, %dma_wait3A_175] : memref<512x128xf32, #tpu.memory_space<vmem>> -> memref<128x128xf32, #tpu.memory_space<vmem>>
    tpu.wait_dma2 semaphore(%arg14 : memref<!tpu.dma_semaphore, #tpu.memory_space<semaphore_mem>>) src(%dma_wait3A_176 : memref<128x128xf32, #tpu.memory_space<vmem>>) dst(%dma_wait3A_173 : memref<128x128xf32, #tpu.memory_space<hbm>>)
    %dma_wait3A_177 = arith.constant 384 : i32
    %dma_wait3A_178 = arith.constant 0 : i32
    %dma_wait3A_179 = tpu.memref_slice %arg8[%dma_wait3A_177, %dma_wait3A_178] : memref<512x128xf32, #tpu.memory_space<vmem>> -> memref<128x128xf32, #tpu.memory_space<vmem>>
    %dma_wait3A_180 = arith.constant 0 : i32
    %dma_wait3A_181 = tpu.memref_slice %arg6[%div3A_1, %add3A_126, %dma_wait3A_180] : memref<4x4096x128xf32, #tpu.memory_space<hbm>> -> memref<1x128x128xf32, #tpu.memory_space<hbm>>
    %dma_wait3A_182 = tpu.memref_squeeze %dma_wait3A_181 : memref<1x128x128xf32, #tpu.memory_space<hbm>> -> memref<128x128xf32, #tpu.memory_space<hbm>>
    %dma_wait3A_183 = arith.constant 0 : i32
    %dma_wait3A_184 = tpu.memref_slice %arg6[%div3A_1, %add3A_126, %dma_wait3A_183] : memref<4x4096x128xf32, #tpu.memory_space<hbm>> -> memref<1x128x128xf32, #tpu.memory_space<hbm>>
    %dma_wait3A_185 = tpu.memref_squeeze %dma_wait3A_184 : memref<1x128x128xf32, #tpu.memory_space<hbm>> -> memref<128x128xf32, #tpu.memory_space<hbm>>
    %dma_wait3A_186 = arith.constant 384 : i32
    %dma_wait3A_187 = arith.constant 0 : i32
    %dma_wait3A_188 = tpu.memref_slice %arg8[%dma_wait3A_186, %dma_wait3A_187] : memref<512x128xf32, #tpu.memory_space<vmem>> -> memref<128x128xf32, #tpu.memory_space<vmem>>
    tpu.wait_dma2 semaphore(%arg14 : memref<!tpu.dma_semaphore, #tpu.memory_space<semaphore_mem>>) src(%dma_wait3A_188 : memref<128x128xf32, #tpu.memory_space<vmem>>) dst(%dma_wait3A_185 : memref<128x128xf32, #tpu.memory_space<hbm>>)
    return
  }
}

</mosaic_0001>

<sc_bundles>
// kernel: _run.3.cloned.1.call-start
scs
__scs_entry_jumppad:
0x0: {  	(pc) =	sbr.rel $0x88, $3  }
0x1: {  	(tag) =	ssettag $0x0;
	lr =	simm.s32 $0x1  }
0x2: {  	[smem:$0x3F9E] =	sst lr;
	_ =	strace $0xD0000000  }
0x3: {  	_ = 	snop  }
0x4: {  	_ = 	snop  }
0x5: {  	_ = 	snop  }
0x6: {  	_ = 	snop  }
0x7: {  	_ = 	snop  }
__scs_overlays_trampoline_lowered:
0x8: {  	[smem:$0x3FAD] =	sst s0  }
0x9: {  	[smem:$0x3FAE] =	sst s1  }
0xa: {  	[smem:$0x3FAF] =	sst s2  }
0xb: {  	[smem:$0x3FB0] =	sst s3  }
0xc: {  	[smem:$0x3FB1] =	sst s4  }
0xd: {  	[smem:$0x3FB2] =	sst s5  }
0xe: {  	[smem:$0x3FB3] =	sst s6  }
0xf: {  	[smem:$0x3FB4] =	sst s7  }
0x10: {  	[smem:$0x3FB5] =	sst s8  }
0x11: {  	[smem:$0x3FB6] =	sst s9;
	s0 =	simm.s32 @!p0 $0x0  }
0x12: {  	s1 =	sld [smem:$0x3F9C];
	s0 =	simm.s32 @p0 $0x1  }
0x13: {  	[smem:$0x3FB7] =	sst s0;
	s0 =	simm.s32 @!p1 $0x0  }
0x14: {  	s2 =	sld [smem:$0x3F9B];
	s0 =	simm.s32 @p1 $0x1  }
0x15: {  	[smem:$0x3FB8] =	sst s0;
	s0 =	simm.s32 @!p2 $0x0  }
0x16: {  	s3 =	sld [smem:$0x3FDB];
	s0 =	simm.s32 @p2 $0x1  }
0x17: {  	s4 =	simm.s32 $0x1BF5;
	[smem:$0x3FBA] =	sst s0  }
0x18: {  	s0 =	sld [smem:$0x3F9D];
	_ =	swait.ge [sflag:s4], $0x0  }
0x19: {  	s7 =	sld [smem:$0x3F9E]  }
0x1a: {  	s8 =	sadd.s32 $0xFFFFE003, lr  }
0x1b: {  	s9 =	sadd.s32 $0xFFFFFEF7, lr;
	s5 =	simm.s32 $0xFFFFFFFF;
	p2 =	slt.u32 s8, $0xFFFFF086  }
0x1c: {  	p1 =	slt.u32 s9, $0xF7A;
	s5 =	simm.s32 @!p2 $0x0  }
0x1d: {  	s5 =	simm.s32 @p1 $0x1;
	p0 =	seq.s32 s7, s2  }
0x1e: {  	s7 =	smul.u32 @!p0 $0xF7A, s2;
	p2 =	seq.s32 @!p0 s5, $0x0  }
0x1f: {  	s9 =	smul.u32 $0xF7A, s1;
	s8 =	simm.s32 @!p0 $0x1BF5;
	p2 =	por !p2, p0  }
0x20: {  	[sflag:s8] =	ssyncset.s32 @!p0 $0xFFFFF086;
	s6 =	sadd.s32 @!p0 s3, s7;
	s7 =	simm.s32 @!p0 $0x108  }
0x21: {  	s3 =	sadd.s32 s3, s9;
	s6 =	sadd.s32 @!p0 $0x88, s6;
	s7 =	simm.s32 @p2 $0x1082  }
0x22: {  	[simem:s7], [sflag:s8] =	dma.local @!p0 [hbm:s6], $0xF7A  }
0x23: {  	s9 =	sor.u32 $0xD0000000, s2;
	s6 =	simm.s32 $0x108;
	_ =	swait.ge @!p0 [sflag:s8], $0x0  }
0x24: {  	s3 =	sadd.s32 $0x88, s3;
	s6 =	simm.s32 @!p1 $0x1082;
	[sflag:s4] =	ssyncset.s32 $0xFFFFF086  }
0x25: {  	[simem:s6], [sflag:s4] =	dma.local [hbm:s3], $0xF7A  }
0x26: {  	[smem:$0x3F9E] =	sst s1;
	(tag) =	ssettag s2;
	_ =	strace s9  }
0x27: {  	s1 =	sld [smem:$0x3FAE]  }
0x28: {  	s2 =	sld [smem:$0x3FAF]  }
0x29: {  	s4 =	sld [smem:$0x3FB1]  }
0x2a: {  	p0 =	seq.s32 s5, $0x0;
	s5 =	sld [smem:$0x3FB2]  }
0x2b: {  	s6 =	sld [smem:$0x3FB3]  }
0x2c: {  	s7 =	sld [smem:$0x3FB4]  }
0x2d: {  	s3 =	simm.s32 $0x108;
	s8 =	sld [smem:$0x3FB5]  }
0x2e: {  	s3 =	simm.s32 @!p0 $0x1082;
	s9 =	sld [smem:$0x3FB6]  }
0x2f: {  	lr =	sadd.s32 s0, s3;
	s0 =	sld [smem:$0x3FAD]  }
0x30: {  	s3 =	sld [smem:$0x3FB0]  }
0x31: {  	[smem:$0x3FB9] =	sst s10  }
0x32: {  	s10 =	sld [smem:$0x3FB7];
	_ =	sdelay $0x3  }
0x33: {  	p0 =	seq.s32 s10, $0x1;
	s10 =	sld [smem:$0x3FB9];
	_ =	sdelay $0x3  }
0x34: {  	[smem:$0x3FB9] =	sst s10  }
0x35: {  	s10 =	sld [smem:$0x3FB8];
	_ =	sdelay $0x3  }
0x36: {  	p1 =	seq.s32 s10, $0x1;
	s10 =	sld [smem:$0x3FB9];
	_ =	sdelay $0x3  }
0x37: {  	[smem:$0x3FB9] =	sst s10  }
0x38: {  	s10 =	sld [smem:$0x3FBA]  }
0x39: {  	_ = 	snop;
	(pc) =	sbr.ind lr, $3  }
0x3a: {  	_ = 	snop  }
0x3b: {  	_ = 	snop  }
0x3c: {  	p2 =	seq.s32 s10, $0x1;
	s10 =	sld [smem:$0x3FB9]  }
0x3d: {  	_ =	shalt  }
0x3e: {  	_ =	shalt  }
0x3f: {  	_ =	shalt  }
0x40: {  	_ =	shalt  }
0x41: {  	_ =	shalt  }
0x42: {  	_ =	shalt  }
0x43: {  	_ =	shalt  }
0x44: {  	_ =	shalt  }
0x45: {  	_ =	shalt  }
0x46: {  	_ =	shalt  }
0x47: {  	_ =	shalt  }
0x48: {  	_ =	shalt  }
0x49: {  	_ =	shalt  }
0x4a: {  	_ =	shalt  }
0x4b: {  	_ =	shalt  }
0x4c: {  	_ =	shalt  }
0x4d: {  	_ =	shalt  }
0x4e: {  	_ =	shalt  }
0x4f: {  	_ =	shalt  }
0x50: {  	_ =	shalt  }
0x51: {  	_ =	shalt  }
0x52: {  	_ =	shalt  }
0x53: {  	_ =	shalt  }
0x54: {  	_ =	shalt  }
0x55: {  	_ =	shalt  }
0x56: {  	_ =	shalt  }
0x57: {  	_ =	shalt  }
0x58: {  	_ =	shalt  }
0x59: {  	_ =	shalt  }
0x5a: {  	_ =	shalt  }
0x5b: {  	_ =	shalt  }
0x5c: {  	_ =	shalt  }
0x5d: {  	_ =	shalt  }
0x5e: {  	_ =	shalt  }
0x5f: {  	_ =	shalt  }
0x60: {  	_ =	shalt  }
0x61: {  	_ =	shalt  }
0x62: {  	_ =	shalt  }
0x63: {  	_ =	shalt  }
0x64: {  	_ =	shalt  }
0x65: {  	_ =	shalt  }
0x66: {  	_ =	shalt  }
0x67: {  	_ =	shalt  }
0x68: {  	_ =	shalt  }
0x69: {  	_ =	shalt  }
0x6a: {  	_ =	shalt  }
0x6b: {  	_ =	shalt  }
0x6c: {  	_ =	shalt  }
0x6d: {  	_ =	shalt  }
0x6e: {  	_ =	shalt  }
0x6f: {  	_ =	shalt  }
0x70: {  	_ =	shalt  }
0x71: {  	_ =	shalt  }
0x72: {  	_ =	shalt  }
0x73: {  	_ =	shalt  }
0x74: {  	_ =	shalt  }
0x75: {  	_ =	shalt  }
0x76: {  	_ =	shalt  }
0x77: {  	_ =	shalt  }
0x78: {  	_ =	shalt  }
0x79: {  	_ =	shalt  }
0x7a: {  	_ =	shalt  }
0x7b: {  	_ =	shalt  }
0x7c: {  	_ =	shalt  }
0x7d: {  	_ =	shalt  }
0x7e: {  	_ =	shalt  }
0x7f: {  	_ =	shalt  }
0x80: {  	_ =	shalt  }
0x81: {  	_ =	shalt  }
0x82: {  	_ =	shalt  }
0x83: {  	_ =	shalt  }
0x84: {  	_ =	shalt  }
0x85: {  	_ =	shalt  }
0x86: {  	_ =	shalt  }
0x87: {  	_ =	shalt  }
.Lfunc_end0:
.L_simem_size_0:
called_computation_lowered:
.L_overlay_start_0:
0x88: {  	s2 =	sld [smem:$0x3FD9]  }
0x89: {  	s3 =	sld [smem:$0x3FFE];
	_ =	sdelay $0x1  }
0x8a: {  	s1 =	srdreg.scid  }
0x8b: {  	s0 =	sand.u32 $0x1, s1  }
0x8c: {  	s15 =	sshll.u32 s0, $0xA;
	s2 =	sadd.s32 s3, s2  }
0x8d: {  	s2 =	sadd.s32 s2, s15  }
0x8e: {  	[smem:$0x3FC5] =	sst s2  }
0x8f: {  	_ = 	snop  }
0x90: {  	s2 =	sld [smem:$0x3FD0]  }
0x91: {  	s16 =	sld [smem:$0x3FC9]  }
0x92: {  	s4 =	sld [smem:$0x3FC8]  }
0x93: {  	s6 =	simm.s32 $0xA;
	s7 =	simm.s32 $0x10;
	s5 =	sld [smem:$0x3FC7]  }
0x94: {  	[smem:s7], [sflag:s6] =	dma.local [hbm:s2], $0x1  }
0x95: {  	_ =	swait.eq [sflag:s6], $0x1  }
0x96: {  	[sflag:s6] =	ssyncset.done $0x0  }
0x97: {  	s17 =	sld [smem:$0x10];
	[sflag:s6] =	ssyncadd.s32 $0xFFFFFFFF  }
0x98: {  	s18 =	sld [smem:$0x11];
	(tm) =	ssettm $0x1  }
0x99: {  	s19 =	sld [smem:$0x3FFB];
	_ =	sdelay $0x3  }
0x9a: {  	_ =	strace s19  }
0x9b: {  	s7 =	sld [smem:$0x3FFC];
	_ =	sdelay $0x3  }
0x9c: {  	_ =	strace s7  }
0x9d: {  	s7 =	sld [smem:$0x3FFD];
	_ =	sdelay $0x3  }
0x9e: {  	_ =	strace s7  }
0x9f: {  	_ =	strace $0x8FFFFFFF  }
0xa0: {  	s20 =	sld [smem:$0x3FDB];
	_ =	sdelay $0x1  }
0xa1: {  	s8 =	simm.s32 $_scs_section_size  }
0xa2: {  	s9 =	simm.s32 $_size__tile_overlayer_lowered;
	s10 =	simm.s32 $_tile_overlayer_lowered  }
0xa3: {  	s23 =	simm.s32 $0x1BFF;
	s22 =	sshll.u32 s10, $0x1;
	s7 =	sadd.s32 s8, s20  }
0xa4: {  	s11 =	simm.s32 $0x0;
	s21 =	sshll.u32 s9, $0x1;
	s9 =	sadd.s32 s22, s7  }
0xa5: {  	[timem:s11], [sflag:s23] =	dma.local [hbm:s9], s21  }
0xa6: {  	_ =	swait.ge [sflag:s23], s21  }
0xa7: {  	s8 =	ssub.s32 $0x0, s21;
	[sflag:s23] =	ssyncset.done $0x0  }
0xa8: {  	[sflag:s23] =	ssyncadd.s32 s8;
	_ =	sdelay $0x1  }
0xa9: {  	s24 =	simm.s32 $0x1B8B  }
0xaa: {  	_ =	swait.ge [sflag:s24], $0x1  }
0xab: {  	[sflag:s24] =	ssyncset.done $0x0  }
0xac: {  	s25 =	simm.s32 $0x1B8E;
	[sflag:s24] =	ssyncadd.s32 $0xFFFFFFFF  }
0xad: {  	s26 =	simm.s32 $execute0_lowered;
	[smem:$0x3FD2] =	sst s25  }
0xae: {  	s8 =	sshll.u32 s26, $0x1;
	_ =	strace $0x80000046;
	[dreg:$0x1] =	wrdreg $0xFFFFFFFF  }
0xaf: {  	s28 =	simm.s32 $_size_execute0_lowered;
	s7 =	sadd.s32 s7, s8;
	[dreg:$0x0] =	wrdreg $0x0  }
0xb0: {  	s8 =	sshll.u32 s28, $0x1;
	[dreg:$0x2] =	wrdreg s7  }
0xb1: {  	[dreg:$0x3] =	wrdreg s8  }
0xb2: {  	[dreg:$0x4] =	wrdreg $0xC0  }
0xb3: {  	_ =	task [dreg:s11], $0x5FFFF  }
0xb4: {  	[dreg:$0x1] =	wrdreg $0xFFFFFFFF  }
0xb5: {  	[dreg:$0x0] =	wrdreg $0x60  }
0xb6: {  	[dreg:$0x2] =	wrdreg s16  }
0xb7: {  	[dreg:$0x3] =	wrdreg s4  }
0xb8: {  	[dreg:$0x4] =	wrdreg s5  }
0xb9: {  	[dreg:$0x5] =	wrdreg s17  }
0xba: {  	[dreg:$0x6] =	wrdreg s18  }
0xbb: {  	[dreg:$0x7] =	wrdreg $0x9  }
0xbc: {  	_ =	task.clear_ibuf [dreg:s11], $0x8FFFF;
	_ =	strace $0x90000046  }
0xbd: {  	s29 =	simm.s32 $0x9;
	_ =	strace $0x80000048  }
0xbe: {  	_ =	swait.ge [sflag:s29], $0x1  }
0xbf: {  	[sflag:s29] =	ssyncadd.s32 $0xFFFFFFFF  }
0xc0: {  	_ =	strace $0x90000048  }
0xc1: {  	_ =	sfence  }
0xc2: {  	s30 =	sld [smem:$0x0];
	_ =	sdelay $0x2  }
0xc3: {  	s31 =	sshll.u32 s1, $0xD;
	s1 =	sshrl.u32 s1, $0x2  }
0xc4: {  	s3 =	sand.u32 $0x4000, s31;
	s1 =	sadd.s32 s1, s30  }
0xc5: {  	s0 =	sor.u32 s3, s0;
	s1 =	sshll.u32 s1, $0x11  }
0xc6: {  	s0 =	sor.u32 s1, s0  }
0xc7: {  	s0 =	sadd.s32 $0x8F2B, s0  }
0xc8: {  	[sflag:s0] =	ssyncadd.remote.s32 $0x1  }
0xc9: {  	_ =	sfence.sel $0xFFFF  }
0xca: {  	[dreg:$0x0] =	wrdreg $0xFFFFFFFF;
	(pc) =	sbr.abs _section_cstart, $3  }
0xcb: {  	[dreg:$0x1] =	wrdreg $0xFFFFFFFF  }
0xcc: {  	_ =	task.clear_ibuf [dreg:s11], $0x2FFFF;
	_ =	strace $0x9FFFFFFF  }
0xcd: {  	(tm) =	ssettm $0x7FFFFFFF  }
tec
execute0_lowered:
.L_overlay_start_1:
0x0: {  	(tag) =	ssettag $0x1  }
0x1: {  	s4 =	rddreg [dreg:$0x0]  }
0x2: {  	s21 =	rddreg [dreg:$0x1]  }
0x3: {  	s2 =	rddreg [dreg:$0x2];
	s0 =	srdreg.scid  }
0x4: {  	s23 =	rddreg [dreg:$0x3];
	s25 =	sand.u32 $0x1, s0  }
0x5: {  	s14 =	rddreg [dreg:$0x4];
	s1 =	stileid.u32;
	s3 =	sshll.u32 s25, $0x4  }
0x6: {  	s0 =	rddreg [dreg:$0x5];
	s22 =	sand.u32 $0x7, s1;
	s5 =	sor.u32 s1, s3  }
0x7: {  	s30 =	sshll.u32 s22, $0x6;
	s3 =	simm.s32 $0x0;
	s24 =	sshrl.u32 s5, $0x3  }
0x8: {  	s4 =	sadd.s32 s4, s30;
	[smem:$0x7FF] =	sst s3;
	s6 =	sshll.u32 s24, $0x9  }
0x9: {  	s5 =	simm.s32 $0x6;
	_ =	strace $0x80000047;
	s4 =	sadd.s32 s6, s4  }
0xa: {  	[tilespmem:s3], [sflag:$0x6] =	stream.linear.gather [hbm4b:s4+s3], $0x200, $0x38;
	[tilespmem:$0x10600] =	vst v63  }
0xb: {  	_ =	swait.ge [sflag:s5], $0x200  }
0xc: {  	[sflag:s5] =	ssyncset.done $0x0  }
0xd: {  	s7 =	simm.s32 $0x200;
	s6 =	simm.s32 $0x80;
	[sflag:s5] =	ssyncadd.s32 $0xFFFFFE00  }
0xe: {  	[tilespmem:s7], [sflag:$0x1] =	stream.indirect.gather [hbm4b:s2+s6], $0x80, s3, s6, $0xb8;
	[tilespmem:$0x10600] =	vst v63  }
0xf: {  	s8 =	simm.s32 $0x4200  }
0x10: {  	[tilespmem:s8], [sflag:$0x2] =	stream.indirect.gather [hbm4b:s2+s6], $0x80, s6, s6, $0xb8;
	[tilespmem:$0x10600] =	vst v63  }
0x11: {  	s9 =	simm.s32 $0x100;
	s10 =	simm.s32 $0x8200  }
0x12: {  	[tilespmem:s10], [sflag:$0x3] =	stream.indirect.gather [hbm4b:s2+s6], $0x80, s9, s6, $0xb8;
	[tilespmem:$0x10600] =	vst v63  }
0x13: {  	s11 =	simm.s32 $0x180;
	s12 =	simm.s32 $0xC200;
	s13 =	simm.s32 $0x1  }
0x14: {  	[tilespmem:s12], [sflag:$0x4] =	stream.indirect.gather [hbm4b:s2+s6], $0x80, s11, s6, $0xb8;
	[tilespmem:$0x10600] =	vst v63  }
0x15: {  	s16 =	sshll.u32 s22, $0xD;
	s15 =	sshll.u32 s24, $0x10;
	_ =	swait.ge [sflag:s13], $0x4000  }
0x16: {  	s15 =	sor.u32 s16, s15;
	[sflag:s13] =	ssyncset.done $0x0  }
0x17: {  	s14 =	sadd.s32 s14, s15;
	s15 =	simm.s32 $0x2;
	[sflag:s13] =	ssyncadd.s32 $0xFFFFC000  }
0x18: {  	[hbm4b:s14+s3] =	stream.linear.scatter [tilespmem:s7], [sflag:$0x5], $0x4000, $0x38;
	[tilespmem:$0x10600] =	vst v63  }
0x19: {  	_ =	swait.ge [sflag:s15], $0x4000  }
0x1a: {  	[sflag:s15] =	ssyncset.done $0x0  }
0x1b: {  	s17 =	simm.s32 $0x3;
	s16 =	sadd.s32 $0x800, s14;
	[sflag:s15] =	ssyncadd.s32 $0xFFFFC000  }
0x1c: {  	[hbm4b:s16+s3] =	stream.linear.scatter [tilespmem:s8], [sflag:$0x5], $0x4000, $0x38;
	[tilespmem:$0x10600] =	vst v63  }
0x1d: {  	_ =	swait.ge [sflag:s17], $0x4000  }
0x1e: {  	[sflag:s17] =	ssyncset.done $0x0  }
0x1f: {  	s19 =	simm.s32 $0x4;
	s18 =	sadd.s32 $0x1000, s14;
	[sflag:s17] =	ssyncadd.s32 $0xFFFFC000  }
0x20: {  	[hbm4b:s18+s3] =	stream.linear.scatter [tilespmem:s10], [sflag:$0x5], $0x4000, $0x38;
	[tilespmem:$0x10600] =	vst v63  }
0x21: {  	_ =	swait.ge [sflag:s19], $0x4000  }
0x22: {  	[sflag:s19] =	ssyncset.done $0x0  }
0x23: {  	s26 =	sshll.u32 s22, $0x7;
	s20 =	sadd.s32 $0x1800, s14;
	[sflag:s19] =	ssyncadd.s32 $0xFFFFC000  }
0x24: {  	[hbm4b:s20+s3] =	stream.linear.scatter [tilespmem:s12], [sflag:$0x5], $0x4000, $0x38;
	[tilespmem:$0x10600] =	vst v63  }
0x25: {  	s22 =	simm.s32 $0x10200;
	s21 =	sadd.s32 s21, s26  }
0x26: {  	[tilespmem:s22], [sflag:$0x6] =	stream.linear.gather [hbm4b:s21+s3], $0x400, $0x38;
	[tilespmem:$0x10600] =	vst v63  }
0x27: {  	_ =	swait.ge [sflag:s5], $0x400  }
0x28: {  	s23 =	sadd.s32 s23, s26;
	s24 =	sshll.u32 s24, $0xA;
	[sflag:s5] =	ssyncset.done $0x0  }
0x29: {  	s23 =	sadd.s32 s24, s23;
	[sflag:s5] =	ssyncadd.s32 $0xFFFFFC00  }
0x2a: {  	[hbm4b:s23+s3] =	stream.linear.scatter [tilespmem:s22], [sflag:$0x6], $0x400, $0x38;
	[tilespmem:$0x10600] =	vst v63  }
0x2b: {  	_ =	swait.ge [sflag:s5], $0x400  }
0x2c: {  	[sflag:s5] =	ssyncset.done $0x0  }
0x2d: {  	s24 =	simm.s32 $0x5;
	[sflag:s5] =	ssyncadd.s32 $0xFFFFFC00  }
0x2e: {  	_ =	swait.ge [sflag:s24], $0x4000  }
0x2f: {  	s25 =	ssub.s32 $0x2, s25;
	[sflag:s24] =	ssyncset.done $0x0  }
0x30: {  	s31 =	sshrl.u32 s25, $0x1;
	[sflag:s24] =	ssyncadd.s32 $0xFFFFC000  }
0x31: {  	s25 =	ssub.s32 s25, s31;
	_ =	swait.ge [sflag:s24], $0x4000  }
0x32: {  	s25 =	smax.u32 s25, $0x1;
	[sflag:s24] =	ssyncset.done $0x0  }
0x33: {  	p0 =	sne.s32 s25, $0x1;
	[sflag:s24] =	ssyncadd.s32 $0xFFFFC000  }
.Ltmp0:
0x34: {  	_ =	swait.ge [sflag:s24], $0x4000;
	(pc) =	sbr.rel @!p0 .LBB2_2-.Ltmp0, $4  }
0x35: {  	[sflag:s24] =	ssyncset.done $0x0  }
0x36: {  	[sflag:s24] =	ssyncadd.s32 $0xFFFFC000  }
0x37: {  	_ =	swait.ge [sflag:s24], $0x4000  }
0x38: {  	s25 =	sadd.s32 $0xFFFFFFFF, s25;
	[sflag:s24] =	ssyncset.done $0x0  }
.LBB2_1:
0x39: {  	p0 =	sne.s32 s25, $0x1;
	s25 =	sadd.s32 $0xFFFFFFFF, s25;
	[sflag:s24] =	ssyncadd.s32 $0xFFFFC000  }
0x3a: {  	[tilespmem:s3], [sflag:$0x6] =	stream.linear.gather [hbm4b:s4+s3], $0x200, $0x38;
	[tilespmem:$0x10600] =	vst v63  }
0x3b: {  	_ =	swait.ge [sflag:s5], $0x200  }
0x3c: {  	[sflag:s5] =	ssyncset.done $0x0  }
0x3d: {  	[sflag:s5] =	ssyncadd.s32 $0xFFFFFE00  }
0x3e: {  	[tilespmem:s7], [sflag:$0x1] =	stream.indirect.gather [hbm4b:s2+s6], $0x80, s3, s6, $0xb8;
	[tilespmem:$0x10600] =	vst v63  }
0x3f: {  	_ = 	snop  }
0x40: {  	[tilespmem:s8], [sflag:$0x2] =	stream.indirect.gather [hbm4b:s2+s6], $0x80, s6, s6, $0xb8;
	[tilespmem:$0x10600] =	vst v63  }
0x41: {  	_ = 	snop  }
0x42: {  	[tilespmem:s10], [sflag:$0x3] =	stream.indirect.gather [hbm4b:s2+s6], $0x80, s9, s6, $0xb8;
	[tilespmem:$0x10600] =	vst v63  }
0x43: {  	_ = 	snop  }
0x44: {  	[tilespmem:s12], [sflag:$0x4] =	stream.indirect.gather [hbm4b:s2+s6], $0x80, s11, s6, $0xb8;
	[tilespmem:$0x10600] =	vst v63  }
0x45: {  	_ =	swait.ge [sflag:s13], $0x4000  }
0x46: {  	[sflag:s13] =	ssyncset.done $0x0  }
0x47: {  	[sflag:s13] =	ssyncadd.s32 $0xFFFFC000  }
0x48: {  	[hbm4b:s14+s3] =	stream.linear.scatter [tilespmem:s7], [sflag:$0x5], $0x4000, $0x38;
	[tilespmem:$0x10600] =	vst v63  }
0x49: {  	_ =	swait.ge [sflag:s15], $0x4000  }
0x4a: {  	[sflag:s15] =	ssyncset.done $0x0  }
0x4b: {  	[sflag:s15] =	ssyncadd.s32 $0xFFFFC000  }
0x4c: {  	[hbm4b:s16+s3] =	stream.linear.scatter [tilespmem:s8], [sflag:$0x5], $0x4000, $0x38;
	[tilespmem:$0x10600] =	vst v63  }
0x4d: {  	_ =	swait.ge [sflag:s17], $0x4000  }
0x4e: {  	[sflag:s17] =	ssyncset.done $0x0  }
0x4f: {  	[sflag:s17] =	ssyncadd.s32 $0xFFFFC000  }
0x50: {  	[hbm4b:s18+s3] =	stream.linear.scatter [tilespmem:s10], [sflag:$0x5], $0x4000, $0x38;
	[tilespmem:$0x10600] =	vst v63  }
0x51: {  	_ =	swait.ge [sflag:s19], $0x4000  }
0x52: {  	[sflag:s19] =	ssyncset.done $0x0  }
0x53: {  	[sflag:s19] =	ssyncadd.s32 $0xFFFFC000  }
0x54: {  	[hbm4b:s20+s3] =	stream.linear.scatter [tilespmem:s12], [sflag:$0x5], $0x4000, $0x38;
	[tilespmem:$0x10600] =	vst v63  }
0x55: {  	_ = 	snop  }
0x56: {  	[tilespmem:s22], [sflag:$0x6] =	stream.linear.gather [hbm4b:s21+s3], $0x400, $0x38;
	[tilespmem:$0x10600] =	vst v63  }
0x57: {  	_ =	swait.ge [sflag:s5], $0x400  }
0x58: {  	[sflag:s5] =	ssyncset.done $0x0  }
0x59: {  	[sflag:s5] =	ssyncadd.s32 $0xFFFFFC00  }
0x5a: {  	[hbm4b:s23+s3] =	stream.linear.scatter [tilespmem:s22], [sflag:$0x6], $0x400, $0x38;
	[tilespmem:$0x10600] =	vst v63  }
0x5b: {  	_ =	swait.ge [sflag:s5], $0x400  }
0x5c: {  	[sflag:s5] =	ssyncset.done $0x0  }
0x5d: {  	[sflag:s5] =	ssyncadd.s32 $0xFFFFFC00  }
0x5e: {  	_ =	swait.ge [sflag:s24], $0x4000  }
0x5f: {  	[sflag:s24] =	ssyncset.done $0x0  }
0x60: {  	[sflag:s24] =	ssyncadd.s32 $0xFFFFC000  }
0x61: {  	_ =	swait.ge [sflag:s24], $0x4000  }
0x62: {  	[sflag:s24] =	ssyncset.done $0x0  }
0x63: {  	[sflag:s24] =	ssyncadd.s32 $0xFFFFC000  }
.Ltmp1:
0x64: {  	_ =	swait.ge [sflag:s24], $0x4000;
	(pc) =	sbr.rel @p0 .LBB2_1-.Ltmp1, $4  }
0x65: {  	[sflag:s24] =	ssyncset.done $0x0  }
0x66: {  	[sflag:s24] =	ssyncadd.s32 $0xFFFFC000  }
0x67: {  	_ =	swait.ge [sflag:s24], $0x4000  }
0x68: {  	[sflag:s24] =	ssyncset.done $0x0  }
.LBB2_2:
0x69: {  	[sflag:s24] =	ssyncadd.s32 $0xFFFFC000  }
0x6a: {  	_ =	sfence.sel $0x180000  }
0x6b: {  	[bflag:$0x0] =	sbarrier.arrive $0xFFFF  }
0x6c: {  	p0 =	sne.s32 s1, $0x0;
	_ =	strace $0x90000047  }
0x6d: {  	s0 =	sadd.s32 @!p0 $0x100000, s0;
	[bflag:$0x2] =	sbarrier.arrive $0xFFFF  }
0x6e: {  	[sflag:s0] =	ssyncadd.tile.s32 @!p0 $0x1;
	_ =	shalt  }
.Lfunc_end2:
_tile_overlayer_lowered:
.L_overlay_start_2:
0x6f: {  	(tag) =	ssettag $0x2  }
0x70: {  	s0 =	rddreg [dreg:$0x0];
	s2 =	stileid.u32  }
0x71: {  	s1 =	rddreg [dreg:$0x1];
	p0 =	sne.s32 s2, $0x0  }
0x72: {  	s3 =	rddreg [dreg:$0x2];
	[bflag:$0x3] =	sbarrier.arrive $0xFFFF;
	s2 =	simm.s32 @!p0 $0x1C06  }
0x73: {  	[timem:s3], [sflag:s2] =	dma.local @!p0 [hbm:s0], s1  }
0x74: {  	s0 =	simm.s32 @!p0 $0x6  }
0x75: {  	_ =	swait.ge @!p0 [sflag:s0], s1  }
0x76: {  	s1 =	ssub.s32 @!p0 $0x0, s1;
	[sflag:s0] =	ssyncset.done @!p0 $0x0  }
0x77: {  	[sflag:s0] =	ssyncadd.s32 @!p0 s1  }
0x78: {  	[bflag:$0x3] =	sbarrier.arrive $0xFFFF  }
0x79: {  	_ =	shalt  }

</sc_bundles>
